<compile_context>
chip_gen: v7x
topology: tpu7x:2x2x1
jax: 0.10.2.dev20260603
libtpu: 0.0.44.dev20260713+nightly
codegen_flags: <defaults>
</compile_context>

<pallas_src>
import functools

import jax
import jax.numpy as jnp
from jax import lax
from jax.experimental import pallas as pl
from jax.experimental.pallas import tpu as pltpu
from jax.experimental.pallas import tpu_sc as plsc

_N = 64 * 32768
_NC, _NS, _L = 2, 16, 16
_NW = _NC * _NS
_CHUNK = _N // _NW


_ROWS, _COLS = 64, 32768
_UNROLL = 8
_NACC = 4
_MCH = 8192
_NMCH = _CHUNK // _MCH


def _insert(tri, x):
    v1, v2, v3 = tri
    n1 = jnp.maximum(v1, x)
    t1 = jnp.minimum(v1, x)
    n2 = jnp.maximum(v2, t1)
    t2 = jnp.minimum(v2, t1)
    n3 = jnp.maximum(v3, t2)
    return (n1, n2, n3)


def _sc_partial_top3(x2d):
    mesh = plsc.VectorSubcoreMesh(core_axis_name="c", subcore_axis_name="s")

    @functools.partial(
        pl.kernel,
        mesh=mesh,
        out_type=jax.ShapeDtypeStruct((_NW * 3 * _L,), jnp.float32),
        scratch_types=[
            pltpu.VMEM((16, 1024), jnp.float32),
            pltpu.VMEM((3 * _L,), jnp.float32),
            pltpu.SemaphoreType.DMA,
            pltpu.SemaphoreType.DMA,
        ],
    )
    def k(x_hbm, out_hbm, buf, res, sem0, sem1):
        wid = lax.axis_index("s") * _NC + lax.axis_index("c")
        row0 = (wid // 4) * 8
        col0 = (wid % 4) * _MCH

        def copy(g, half, sem):
            return pltpu.make_async_copy(
                x_hbm.at[pl.ds(row0, 8), pl.ds(col0 + g * 1024, 1024)],
                buf.at[pl.ds(half * 8, 8), :],
                sem,
            )

        copy(0, 0, sem0).start()
        copy(1, 1, sem1).start()

        neg_inf = jnp.full((_L,), -jnp.inf, jnp.float32)
        carry = (neg_inf,) * (3 * _NACC)

        def consume(c, rbase):
            def body(i, cc):
                tris = [tuple(cc[3 * a : 3 * a + 3]) for a in range(_NACC)]
                row = rbase + (i >> 3)
                colb = (i & 7) * (_UNROLL * _L)
                for j in range(_UNROLL):
                    x = buf[row, pl.ds(colb + j * _L, _L)]
                    tris[j % _NACC] = _insert(tris[j % _NACC], x)
                return tuple(v for tri in tris for v in tri)

            return lax.fori_loop(0, 64, body, c)

        def pair(p, c):
            g = p * 2
            copy(g, 0, sem0).wait()
            c = consume(c, 0)

            @pl.when(p < _NMCH // 2 - 1)
            def _():
                copy(g + 2, 0, sem0).start()

            copy(g + 1, 1, sem1).wait()
            c = consume(c, 8)

            @pl.when(p < _NMCH // 2 - 1)
            def _():
                copy(g + 3, 1, sem1).start()

            return c

        carry = lax.fori_loop(0, _NMCH // 2, pair, carry)

        tri = tuple(carry[0:3])
        for a in range(1, _NACC):
            for v in carry[3 * a : 3 * a + 3]:
                tri = _insert(tri, v)

        res[pl.ds(0, _L)] = tri[0]
        res[pl.ds(_L, _L)] = tri[1]
        res[pl.ds(2 * _L, _L)] = tri[2]
        pltpu.sync_copy(res, out_hbm.at[pl.ds(wid * 3 * _L, 3 * _L)])

    return k(x2d)


def _tc_finish(cands):
    _R = _NW * 3 * _L // 128

    def body(x_ref, o_ref):
        x = x_ref[...].reshape(_R, 128)
        rows = lax.broadcasted_iota(jnp.int32, (_R, 128), 0)
        cols = lax.broadcasted_iota(jnp.int32, (_R, 128), 1)
        idx = rows * 128 + cols
        acc = jnp.float32(0.0)
        for _ in range(3):
            m = jnp.max(x)
            first = jnp.min(jnp.where(x == m, idx, jnp.int32(1 << 30)))
            x = jnp.where(idx == first, -jnp.inf, x)
            acc = acc - jnp.log(1.0 - m)
        o_ref[0, 0] = acc

    out = pl.pallas_call(
        body,
        out_shape=jax.ShapeDtypeStruct((1, 1), jnp.float32),
        out_specs=pl.BlockSpec(memory_space=pltpu.SMEM),
    )(cands)
    return out[0, 0]


@jax.jit
def kernel(classifications, targets):
    del targets
    cands = _sc_partial_top3(classifications)
    return _tc_finish(cands)

# --- scband reference (transcript-rebuilt; emitter-appended) ---
"""Pipeline reference for scband-ohem-55697135894720 (READ-ONLY COPY).

The authoritative reference and input builder live on the scoring server;
editing this copy changes nothing except your own understanding.
"""

import jax, jax.numpy as jnp
import numpy as np


def setup_inputs(seed: int = 0) -> dict:
    key = jax.random.key(seed)
    k1, k2 = jax.random.split(key)
    classifications = jax.random.uniform(k1, (64, 32768), dtype=jnp.float32)
    targets = jnp.zeros((64, 32768), dtype=jnp.int32)
    return {"classifications": classifications, "targets": targets}


def reference(classifications, targets):
    alpha = 3
    c = classifications.reshape(-1)
    t = targets.reshape(-1)
    pos_mask = t == 1
    neg_mask = t == 0
    loss1_sum = jnp.sum(jnp.where(pos_mask, -jnp.log(c), jnp.zeros((), dtype=c.dtype)))
    k = alpha * 1
    y_neg = jnp.where(neg_mask, c, -jnp.inf)
    topv, _ = jax.lax.top_k(y_neg, k)
    loss2 = -jnp.log(1.0 - topv)
    return loss1_sum + loss2.sum()

if __name__ == "__main__":
    import jax
    _d = setup_inputs()
    print(jax.jit(kernel)(*tuple(_d.values())))

</pallas_src>

<mosaic_0001>
#map = affine_map<(d0, d1) -> (0, 0)>
#map1 = affine_map<(d0, d1) -> (0)>
module attributes {stable_mosaic.version = 14 : i64} {
  func.func @k(%arg0: i32, %arg1: i32, %arg2: memref<64x32768xf32, #tpu.memory_space<hbm>>, %arg3: memref<1536xf32, #tpu.memory_space<hbm>>, %arg4: memref<16x1024xf32, #tpu.memory_space<vmem>>, %arg5: memref<48xf32, #tpu.memory_space<vmem>>, %arg6: memref<!tpu.dma_semaphore, #tpu.memory_space<semaphore_mem>>, %arg7: memref<!tpu.dma_semaphore, #tpu.memory_space<semaphore_mem>>) attributes {dimension_semantics = [#tpu.dimension_semantics<core_parallel>, #tpu.dimension_semantics<subcore_parallel>], iteration_bounds = array<i64: 2, 16>, scalar_prefetch = 0 : i64, scratch_operands = 4 : i64, tpu.core_type = #tpu.core_type<sc_vector_subcore>, window_params = [{transform_indices = #map}, {transform_indices = #map1}]} {
    %mul3A = arith.constant 2 : i32
    %mul3A_0 = arith.muli %arg1, %mul3A : i32
    %add3A = arith.addi %mul3A_0, %arg0 : i32
    %jit3A = arith.constant 4 : i32
    %div3A = arith.divsi %add3A, %jit3A : i32
    %sign3A = arith.constant 0 : i32
    %sign3A_1 = arith.cmpi sgt, %add3A, %sign3A : i32
    %sign3A_2 = arith.extui %sign3A_1 : i1 to i32
    %sign3A_3 = arith.constant 0 : i32
    %sign3A_4 = arith.cmpi slt, %add3A, %sign3A_3 : i32
    %sign3A_5 = arith.extui %sign3A_4 : i1 to i32
    %sign3A_6 = arith.subi %sign3A_2, %sign3A_5 : i32
    %sign3A_7 = arith.constant 0 : i32
    %sign3A_8 = arith.cmpi sgt, %jit3A, %sign3A_7 : i32
    %sign3A_9 = arith.extui %sign3A_8 : i1 to i32
    %sign3A_10 = arith.constant 0 : i32
    %sign3A_11 = arith.cmpi slt, %jit3A, %sign3A_10 : i32
    %sign3A_12 = arith.extui %sign3A_11 : i1 to i32
    %sign3A_13 = arith.subi %sign3A_9, %sign3A_12 : i32
    %ne3A = arith.cmpi ne, %sign3A_6, %sign3A_13 : i32
    %rem3A = arith.remsi %add3A, %jit3A : i32
    %ne3A_14 = arith.constant 0 : i32
    %ne3A_15 = arith.cmpi ne, %rem3A, %ne3A_14 : i32
    %and3A = arith.andi %ne3A, %ne3A_15 : i1
    %sub3A = arith.constant 1 : i32
    %sub3A_16 = arith.subi %div3A, %sub3A : i32
    %select_n3A = arith.select %and3A, %sub3A_16, %div3A : i32
    %mul3A_17 = arith.constant 8 : i32
    %mul3A_18 = arith.muli %select_n3A, %mul3A_17 : i32
    %jit3A_19 = arith.constant 4 : i32
    %eq3A = arith.constant 0 : i32
    %eq3A_20 = arith.cmpi eq, %jit3A_19, %eq3A : i32
    %jit3A_21 = arith.constant 1 : i32
    %select_n3A_22 = arith.select %eq3A_20, %jit3A_21, %jit3A_19 : i32
    %rem3A_23 = arith.remsi %add3A, %select_n3A_22 : i32
    %ne3A_24 = arith.constant 0 : i32
    %ne3A_25 = arith.cmpi ne, %rem3A_23, %ne3A_24 : i32
    %lt3A = arith.constant 0 : i32
    %lt3A_26 = arith.cmpi slt, %rem3A_23, %lt3A : i32
    %lt3A_27 = arith.constant 0 : i32
    %lt3A_28 = arith.cmpi slt, %select_n3A_22, %lt3A_27 : i32
    %ne3A_29 = arith.xori %lt3A_26, %lt3A_28 : i1
    %and3A_30 = arith.andi %ne3A_29, %ne3A_25 : i1
    %add3A_31 = arith.addi %rem3A_23, %select_n3A_22 : i32
    %select_n3A_32 = arith.select %and3A_30, %add3A_31, %rem3A_23 : i32
    %mul3A_33 = arith.constant 8192 : i32
    %mul3A_34 = arith.muli %select_n3A_32, %mul3A_33 : i32
    %add3A_35 = arith.constant 0 : i32
    %add3A_36 = arith.addi %mul3A_34, %add3A_35 : i32
    %dma_start3A = arith.constant 0 : i32
    %dma_start3A_37 = arith.constant 0 : i32
    %dma_start3A_38 = tpu.memref_slice %arg4[%dma_start3A, %dma_start3A_37] : memref<16x1024xf32, #tpu.memory_space<vmem>> -> memref<8x1024xf32, #tpu.memory_space<vmem>>
    %dma_start3A_39 = tpu.memref_slice %arg2[%mul3A_18, %add3A_36] : memref<64x32768xf32, #tpu.memory_space<hbm>> -> memref<8x1024xf32, #tpu.memory_space<hbm>>
    %dma_start3A_40 = arith.constant 0 : i32
    %dma_start3A_41 = arith.constant 0 : i32
    %dma_start3A_42 = tpu.memref_slice %arg4[%dma_start3A_40, %dma_start3A_41] : memref<16x1024xf32, #tpu.memory_space<vmem>> -> memref<8x1024xf32, #tpu.memory_space<vmem>>
    %dma_start3A_43 = tpu.memref_slice %arg2[%mul3A_18, %add3A_36] : memref<64x32768xf32, #tpu.memory_space<hbm>> -> memref<8x1024xf32, #tpu.memory_space<hbm>>
    tpu.enqueue_dma source(%dma_start3A_43 : memref<8x1024xf32, #tpu.memory_space<hbm>>) target(%dma_start3A_42 : memref<8x1024xf32, #tpu.memory_space<vmem>>) target_semaphore(%arg6 : memref<!tpu.dma_semaphore, #tpu.memory_space<semaphore_mem>>)
    %add3A_44 = arith.constant 1024 : i32
    %add3A_45 = arith.addi %mul3A_34, %add3A_44 : i32
    %dma_start3A_46 = arith.constant 8 : i32
    %dma_start3A_47 = arith.constant 0 : i32
    %dma_start3A_48 = tpu.memref_slice %arg4[%dma_start3A_46, %dma_start3A_47] : memref<16x1024xf32, #tpu.memory_space<vmem>> -> memref<8x1024xf32, #tpu.memory_space<vmem>>
    %dma_start3A_49 = tpu.memref_slice %arg2[%mul3A_18, %add3A_45] : memref<64x32768xf32, #tpu.memory_space<hbm>> -> memref<8x1024xf32, #tpu.memory_space<hbm>>
    %dma_start3A_50 = arith.constant 8 : i32
    %dma_start3A_51 = arith.constant 0 : i32
    %dma_start3A_52 = tpu.memref_slice %arg4[%dma_start3A_50, %dma_start3A_51] : memref<16x1024xf32, #tpu.memory_space<vmem>> -> memref<8x1024xf32, #tpu.memory_space<vmem>>
    %dma_start3A_53 = tpu.memref_slice %arg2[%mul3A_18, %add3A_45] : memref<64x32768xf32, #tpu.memory_space<hbm>> -> memref<8x1024xf32, #tpu.memory_space<hbm>>
    tpu.enqueue_dma source(%dma_start3A_53 : memref<8x1024xf32, #tpu.memory_space<hbm>>) target(%dma_start3A_52 : memref<8x1024xf32, #tpu.memory_space<vmem>>) target_semaphore(%arg7 : memref<!tpu.dma_semaphore, #tpu.memory_space<semaphore_mem>>)
    %broadcast_in_dim3A = arith.constant 0xFF800000 : f32
    %broadcast_in_dim3A_54 = vector.broadcast %broadcast_in_dim3A : f32 to vector<16xf32>
    %scan3A = arith.constant 0 : i32
    %scan3A_55 = arith.constant 4 : i32
    %scan3A_56 = arith.addi %scan3A, %scan3A_55 : i32
    %scan3A_57 = arith.constant 1 : i32
    %scan3A_58:12 = scf.for %scan3A_118 = %scan3A to %scan3A_56 step %scan3A_57 iter_args(%scan3A_119 = %broadcast_in_dim3A_54, %scan3A_120 = %broadcast_in_dim3A_54, %scan3A_121 = %broadcast_in_dim3A_54, %scan3A_122 = %broadcast_in_dim3A_54, %scan3A_123 = %broadcast_in_dim3A_54, %scan3A_124 = %broadcast_in_dim3A_54, %scan3A_125 = %broadcast_in_dim3A_54, %scan3A_126 = %broadcast_in_dim3A_54, %scan3A_127 = %broadcast_in_dim3A_54, %scan3A_128 = %broadcast_in_dim3A_54, %scan3A_129 = %broadcast_in_dim3A_54, %scan3A_130 = %broadcast_in_dim3A_54) -> (vector<16xf32>, vector<16xf32>, vector<16xf32>, vector<16xf32>, vector<16xf32>, vector<16xf32>, vector<16xf32>, vector<16xf32>, vector<16xf32>, vector<16xf32>, vector<16xf32>, vector<16xf32>)  : i32 {
      %mul3A_131 = arith.constant 2 : i32
      %mul3A_132 = arith.muli %scan3A_118, %mul3A_131 : i32
      %mul3A_133 = arith.constant 1024 : i32
      %mul3A_134 = arith.muli %mul3A_132, %mul3A_133 : i32
      %add3A_135 = arith.addi %mul3A_34, %mul3A_134 : i32
      %dma_wait3A = arith.constant 0 : i32
      %dma_wait3A_136 = arith.constant 0 : i32
      %dma_wait3A_137 = tpu.memref_slice %arg4[%dma_wait3A, %dma_wait3A_136] : memref<16x1024xf32, #tpu.memory_space<vmem>> -> memref<8x1024xf32, #tpu.memory_space<vmem>>
      %dma_wait3A_138 = tpu.memref_slice %arg2[%mul3A_18, %add3A_135] : memref<64x32768xf32, #tpu.memory_space<hbm>> -> memref<8x1024xf32, #tpu.memory_space<hbm>>
      %dma_wait3A_139 = arith.constant 0 : i32
      %dma_wait3A_140 = arith.constant 0 : i32
      %dma_wait3A_141 = tpu.memref_slice %arg4[%dma_wait3A_139, %dma_wait3A_140] : memref<16x1024xf32, #tpu.memory_space<vmem>> -> memref<8x1024xf32, #tpu.memory_space<vmem>>
      %dma_wait3A_142 = tpu.memref_slice %arg2[%mul3A_18, %add3A_135] : memref<64x32768xf32, #tpu.memory_space<hbm>> -> memref<8x1024xf32, #tpu.memory_space<hbm>>
      tpu.wait_dma2 semaphore(%arg6 : memref<!tpu.dma_semaphore, #tpu.memory_space<semaphore_mem>>) src(%dma_wait3A_142 : memref<8x1024xf32, #tpu.memory_space<hbm>>) dst(%dma_wait3A_141 : memref<8x1024xf32, #tpu.memory_space<vmem>>)
      %scan3A_143 = arith.constant 0 : i32
      %scan3A_144 = arith.constant 64 : i32
      %scan3A_145 = arith.addi %scan3A_143, %scan3A_144 : i32
      %scan3A_146 = arith.constant 1 : i32
      %scan3A_147:12 = scf.for %scan3A_176 = %scan3A_143 to %scan3A_145 step %scan3A_146 iter_args(%scan3A_177 = %scan3A_119, %scan3A_178 = %scan3A_120, %scan3A_179 = %scan3A_121, %scan3A_180 = %scan3A_122, %scan3A_181 = %scan3A_123, %scan3A_182 = %scan3A_124, %scan3A_183 = %scan3A_125, %scan3A_184 = %scan3A_126, %scan3A_185 = %scan3A_127, %scan3A_186 = %scan3A_128, %scan3A_187 = %scan3A_129, %scan3A_188 = %scan3A_130) -> (vector<16xf32>, vector<16xf32>, vector<16xf32>, vector<16xf32>, vector<16xf32>, vector<16xf32>, vector<16xf32>, vector<16xf32>, vector<16xf32>, vector<16xf32>, vector<16xf32>, vector<16xf32>)  : i32 {
        %shift_right_arithmetic3A = arith.constant 3 : i32
        %shift_right_arithmetic3A_189 = arith.shrsi %scan3A_176, %shift_right_arithmetic3A : i32
        %add3A_190 = arith.constant 0 : i32
        %add3A_191 = arith.addi %add3A_190, %shift_right_arithmetic3A_189 : i32
        %and3A_192 = arith.constant 7 : i32
        %and3A_193 = arith.andi %scan3A_176, %and3A_192 : i32
        %mul3A_194 = arith.constant 128 : i32
        %mul3A_195 = arith.muli %and3A_193, %mul3A_194 : i32
        %add3A_196 = arith.constant 0 : i32
        %add3A_197 = arith.addi %mul3A_195, %add3A_196 : i32
        %get3A = arith.index_cast %add3A_191 : i32 to index
        %get3A_198 = arith.index_cast %add3A_197 : i32 to index
        %get3A_199 = tpu.vector_load %arg4[%get3A, %get3A_198] {strides = array<i32>} : memref<16x1024xf32, #tpu.memory_space<vmem>>, vector<1x16xf32>,
        %get3A_200 = vector.shape_cast %get3A_199 : vector<1x16xf32> to vector<16xf32>
        %max3A_201 = arith.maximumf %scan3A_177, %get3A_200 : vector<16xf32>
        %min3A_202 = arith.minimumf %scan3A_177, %get3A_200 : vector<16xf32>
        %max3A_203 = arith.maximumf %scan3A_178, %min3A_202 : vector<16xf32>
        %min3A_204 = arith.minimumf %scan3A_178, %min3A_202 : vector<16xf32>
        %max3A_205 = arith.maximumf %scan3A_179, %min3A_204 : vector<16xf32>
        %add3A_206 = arith.constant 16 : i32
        %add3A_207 = arith.addi %mul3A_195, %add3A_206 : i32
        %get3A_208 = arith.index_cast %add3A_191 : i32 to index
        %get3A_209 = arith.index_cast %add3A_207 : i32 to index
        %get3A_210 = tpu.vector_load %arg4[%get3A_208, %get3A_209] {strides = array<i32>} : memref<16x1024xf32, #tpu.memory_space<vmem>>, vector<1x16xf32>,
        %get3A_211 = vector.shape_cast %get3A_210 : vector<1x16xf32> to vector<16xf32>
        %max3A_212 = arith.maximumf %scan3A_180, %get3A_211 : vector<16xf32>
        %min3A_213 = arith.minimumf %scan3A_180, %get3A_211 : vector<16xf32>
        %max3A_214 = arith.maximumf %scan3A_181, %min3A_213 : vector<16xf32>
        %min3A_215 = arith.minimumf %scan3A_181, %min3A_213 : vector<16xf32>
        %max3A_216 = arith.maximumf %scan3A_182, %min3A_215 : vector<16xf32>
        %add3A_217 = arith.constant 32 : i32
        %add3A_218 = arith.addi %mul3A_195, %add3A_217 : i32
        %get3A_219 = arith.index_cast %add3A_191 : i32 to index
        %get3A_220 = arith.index_cast %add3A_218 : i32 to index
        %get3A_221 = tpu.vector_load %arg4[%get3A_219, %get3A_220] {strides = array<i32>} : memref<16x1024xf32, #tpu.memory_space<vmem>>, vector<1x16xf32>,
        %get3A_222 = vector.shape_cast %get3A_221 : vector<1x16xf32> to vector<16xf32>
        %max3A_223 = arith.maximumf %scan3A_183, %get3A_222 : vector<16xf32>
        %min3A_224 = arith.minimumf %scan3A_183, %get3A_222 : vector<16xf32>
        %max3A_225 = arith.maximumf %scan3A_184, %min3A_224 : vector<16xf32>
        %min3A_226 = arith.minimumf %scan3A_184, %min3A_224 : vector<16xf32>
        %max3A_227 = arith.maximumf %scan3A_185, %min3A_226 : vector<16xf32>
        %add3A_228 = arith.constant 48 : i32
        %add3A_229 = arith.addi %mul3A_195, %add3A_228 : i32
        %get3A_230 = arith.index_cast %add3A_191 : i32 to index
        %get3A_231 = arith.index_cast %add3A_229 : i32 to index
        %get3A_232 = tpu.vector_load %arg4[%get3A_230, %get3A_231] {strides = array<i32>} : memref<16x1024xf32, #tpu.memory_space<vmem>>, vector<1x16xf32>,
        %get3A_233 = vector.shape_cast %get3A_232 : vector<1x16xf32> to vector<16xf32>
        %max3A_234 = arith.maximumf %scan3A_186, %get3A_233 : vector<16xf32>
        %min3A_235 = arith.minimumf %scan3A_186, %get3A_233 : vector<16xf32>
        %max3A_236 = arith.maximumf %scan3A_187, %min3A_235 : vector<16xf32>
        %min3A_237 = arith.minimumf %scan3A_187, %min3A_235 : vector<16xf32>
        %max3A_238 = arith.maximumf %scan3A_188, %min3A_237 : vector<16xf32>
        %add3A_239 = arith.constant 64 : i32
        %add3A_240 = arith.addi %mul3A_195, %add3A_239 : i32
        %get3A_241 = arith.index_cast %add3A_191 : i32 to index
        %get3A_242 = arith.index_cast %add3A_240 : i32 to index
        %get3A_243 = tpu.vector_load %arg4[%get3A_241, %get3A_242] {strides = array<i32>} : memref<16x1024xf32, #tpu.memory_space<vmem>>, vector<1x16xf32>,
        %get3A_244 = vector.shape_cast %get3A_243 : vector<1x16xf32> to vector<16xf32>
        %max3A_245 = arith.maximumf %max3A_201, %get3A_244 : vector<16xf32>
        %min3A_246 = arith.minimumf %max3A_201, %get3A_244 : vector<16xf32>
        %max3A_247 = arith.maximumf %max3A_203, %min3A_246 : vector<16xf32>
        %min3A_248 = arith.minimumf %max3A_203, %min3A_246 : vector<16xf32>
        %max3A_249 = arith.maximumf %max3A_205, %min3A_248 : vector<16xf32>
        %add3A_250 = arith.constant 80 : i32
        %add3A_251 = arith.addi %mul3A_195, %add3A_250 : i32
        %get3A_252 = arith.index_cast %add3A_191 : i32 to index
        %get3A_253 = arith.index_cast %add3A_251 : i32 to index
        %get3A_254 = tpu.vector_load %arg4[%get3A_252, %get3A_253] {strides = array<i32>} : memref<16x1024xf32, #tpu.memory_space<vmem>>, vector<1x16xf32>,
        %get3A_255 = vector.shape_cast %get3A_254 : vector<1x16xf32> to vector<16xf32>
        %max3A_256 = arith.maximumf %max3A_212, %get3A_255 : vector<16xf32>
        %min3A_257 = arith.minimumf %max3A_212, %get3A_255 : vector<16xf32>
        %max3A_258 = arith.maximumf %max3A_214, %min3A_257 : vector<16xf32>
        %min3A_259 = arith.minimumf %max3A_214, %min3A_257 : vector<16xf32>
        %max3A_260 = arith.maximumf %max3A_216, %min3A_259 : vector<16xf32>
        %add3A_261 = arith.constant 96 : i32
        %add3A_262 = arith.addi %mul3A_195, %add3A_261 : i32
        %get3A_263 = arith.index_cast %add3A_191 : i32 to index
        %get3A_264 = arith.index_cast %add3A_262 : i32 to index
        %get3A_265 = tpu.vector_load %arg4[%get3A_263, %get3A_264] {strides = array<i32>} : memref<16x1024xf32, #tpu.memory_space<vmem>>, vector<1x16xf32>,
        %get3A_266 = vector.shape_cast %get3A_265 : vector<1x16xf32> to vector<16xf32>
        %max3A_267 = arith.maximumf %max3A_223, %get3A_266 : vector<16xf32>
        %min3A_268 = arith.minimumf %max3A_223, %get3A_266 : vector<16xf32>
        %max3A_269 = arith.maximumf %max3A_225, %min3A_268 : vector<16xf32>
        %min3A_270 = arith.minimumf %max3A_225, %min3A_268 : vector<16xf32>
        %max3A_271 = arith.maximumf %max3A_227, %min3A_270 : vector<16xf32>
        %add3A_272 = arith.constant 112 : i32
        %add3A_273 = arith.addi %mul3A_195, %add3A_272 : i32
        %get3A_274 = arith.index_cast %add3A_191 : i32 to index
        %get3A_275 = arith.index_cast %add3A_273 : i32 to index
        %get3A_276 = tpu.vector_load %arg4[%get3A_274, %get3A_275] {strides = array<i32>} : memref<16x1024xf32, #tpu.memory_space<vmem>>, vector<1x16xf32>,
        %get3A_277 = vector.shape_cast %get3A_276 : vector<1x16xf32> to vector<16xf32>
        %max3A_278 = arith.maximumf %max3A_234, %get3A_277 : vector<16xf32>
        %min3A_279 = arith.minimumf %max3A_234, %get3A_277 : vector<16xf32>
        %max3A_280 = arith.maximumf %max3A_236, %min3A_279 : vector<16xf32>
        %min3A_281 = arith.minimumf %max3A_236, %min3A_279 : vector<16xf32>
        %max3A_282 = arith.maximumf %max3A_238, %min3A_281 : vector<16xf32>
        scf.yield %max3A_245, %max3A_247, %max3A_249, %max3A_256, %max3A_258, %max3A_260, %max3A_267, %max3A_269, %max3A_271, %max3A_278, %max3A_280, %max3A_282 : vector<16xf32>, vector<16xf32>, vector<16xf32>, vector<16xf32>, vector<16xf32>, vector<16xf32>, vector<16xf32>, vector<16xf32>, vector<16xf32>, vector<16xf32>, vector<16xf32>, vector<16xf32>
      }
      %scan3A_148 = arith.constant 64 : i32
      %lt3A_149 = arith.constant 3 : i32
      %lt3A_150 = arith.cmpi slt, %scan3A_118, %lt3A_149 : i32
      %convert_element_type3A = arith.extui %lt3A_150 : i1 to i32
      %cond3A = arith.constant 0 : i32
      %cond3A_151 = arith.cmpi ne, %convert_element_type3A, %cond3A : i32
      scf.if %cond3A_151 {
        %add3A_176 = arith.constant 2 : i32
        %add3A_177 = arith.addi %mul3A_132, %add3A_176 : i32
        %mul3A_178 = arith.constant 1024 : i32
        %mul3A_179 = arith.muli %add3A_177, %mul3A_178 : i32
        %add3A_180 = arith.addi %mul3A_34, %mul3A_179 : i32
        %dma_start3A_181 = arith.constant 0 : i32
        %dma_start3A_182 = arith.constant 0 : i32
        %dma_start3A_183 = tpu.memref_slice %arg4[%dma_start3A_181, %dma_start3A_182] : memref<16x1024xf32, #tpu.memory_space<vmem>> -> memref<8x1024xf32, #tpu.memory_space<vmem>>
        %dma_start3A_184 = tpu.memref_slice %arg2[%mul3A_18, %add3A_180] : memref<64x32768xf32, #tpu.memory_space<hbm>> -> memref<8x1024xf32, #tpu.memory_space<hbm>>
        %dma_start3A_185 = arith.constant 0 : i32
        %dma_start3A_186 = arith.constant 0 : i32
        %dma_start3A_187 = tpu.memref_slice %arg4[%dma_start3A_185, %dma_start3A_186] : memref<16x1024xf32, #tpu.memory_space<vmem>> -> memref<8x1024xf32, #tpu.memory_space<vmem>>
        %dma_start3A_188 = tpu.memref_slice %arg2[%mul3A_18, %add3A_180] : memref<64x32768xf32, #tpu.memory_space<hbm>> -> memref<8x1024xf32, #tpu.memory_space<hbm>>
        tpu.enqueue_dma source(%dma_start3A_188 : memref<8x1024xf32, #tpu.memory_space<hbm>>) target(%dma_start3A_187 : memref<8x1024xf32, #tpu.memory_space<vmem>>) target_semaphore(%arg6 : memref<!tpu.dma_semaphore, #tpu.memory_space<semaphore_mem>>)
      } else {
      }
      %add3A_152 = arith.constant 1 : i32
      %add3A_153 = arith.addi %mul3A_132, %add3A_152 : i32
      %mul3A_154 = arith.constant 1024 : i32
      %mul3A_155 = arith.muli %add3A_153, %mul3A_154 : i32
      %add3A_156 = arith.addi %mul3A_34, %mul3A_155 : i32
      %dma_wait3A_157 = arith.constant 8 : i32
      %dma_wait3A_158 = arith.constant 0 : i32
      %dma_wait3A_159 = tpu.memref_slice %arg4[%dma_wait3A_157, %dma_wait3A_158] : memref<16x1024xf32, #tpu.memory_space<vmem>> -> memref<8x1024xf32, #tpu.memory_space<vmem>>
      %dma_wait3A_160 = tpu.memref_slice %arg2[%mul3A_18, %add3A_156] : memref<64x32768xf32, #tpu.memory_space<hbm>> -> memref<8x1024xf32, #tpu.memory_space<hbm>>
      %dma_wait3A_161 = arith.constant 8 : i32
      %dma_wait3A_162 = arith.constant 0 : i32
      %dma_wait3A_163 = tpu.memref_slice %arg4[%dma_wait3A_161, %dma_wait3A_162] : memref<16x1024xf32, #tpu.memory_space<vmem>> -> memref<8x1024xf32, #tpu.memory_space<vmem>>
      %dma_wait3A_164 = tpu.memref_slice %arg2[%mul3A_18, %add3A_156] : memref<64x32768xf32, #tpu.memory_space<hbm>> -> memref<8x1024xf32, #tpu.memory_space<hbm>>
      tpu.wait_dma2 semaphore(%arg7 : memref<!tpu.dma_semaphore, #tpu.memory_space<semaphore_mem>>) src(%dma_wait3A_164 : memref<8x1024xf32, #tpu.memory_space<hbm>>) dst(%dma_wait3A_163 : memref<8x1024xf32, #tpu.memory_space<vmem>>)
      %scan3A_165 = arith.constant 0 : i32
      %scan3A_166 = arith.constant 64 : i32
      %scan3A_167 = arith.addi %scan3A_165, %scan3A_166 : i32
      %scan3A_168 = arith.constant 1 : i32
      %scan3A_169:12 = scf.for %scan3A_176 = %scan3A_165 to %scan3A_167 step %scan3A_168 iter_args(%scan3A_177 = %scan3A_147#0, %scan3A_178 = %scan3A_147#1, %scan3A_179 = %scan3A_147#2, %scan3A_180 = %scan3A_147#3, %scan3A_181 = %scan3A_147#4, %scan3A_182 = %scan3A_147#5, %scan3A_183 = %scan3A_147#6, %scan3A_184 = %scan3A_147#7, %scan3A_185 = %scan3A_147#8, %scan3A_186 = %scan3A_147#9, %scan3A_187 = %scan3A_147#10, %scan3A_188 = %scan3A_147#11) -> (vector<16xf32>, vector<16xf32>, vector<16xf32>, vector<16xf32>, vector<16xf32>, vector<16xf32>, vector<16xf32>, vector<16xf32>, vector<16xf32>, vector<16xf32>, vector<16xf32>, vector<16xf32>)  : i32 {
        %shift_right_arithmetic3A = arith.constant 3 : i32
        %shift_right_arithmetic3A_189 = arith.shrsi %scan3A_176, %shift_right_arithmetic3A : i32
        %add3A_190 = arith.constant 8 : i32
        %add3A_191 = arith.addi %add3A_190, %shift_right_arithmetic3A_189 : i32
        %and3A_192 = arith.constant 7 : i32
        %and3A_193 = arith.andi %scan3A_176, %and3A_192 : i32
        %mul3A_194 = arith.constant 128 : i32
        %mul3A_195 = arith.muli %and3A_193, %mul3A_194 : i32
        %add3A_196 = arith.constant 0 : i32
        %add3A_197 = arith.addi %mul3A_195, %add3A_196 : i32
        %get3A = arith.index_cast %add3A_191 : i32 to index
        %get3A_198 = arith.index_cast %add3A_197 : i32 to index
        %get3A_199 = tpu.vector_load %arg4[%get3A, %get3A_198] {strides = array<i32>} : memref<16x1024xf32, #tpu.memory_space<vmem>>, vector<1x16xf32>,
        %get3A_200 = vector.shape_cast %get3A_199 : vector<1x16xf32> to vector<16xf32>
        %max3A_201 = arith.maximumf %scan3A_177, %get3A_200 : vector<16xf32>
        %min3A_202 = arith.minimumf %scan3A_177, %get3A_200 : vector<16xf32>
        %max3A_203 = arith.maximumf %scan3A_178, %min3A_202 : vector<16xf32>
        %min3A_204 = arith.minimumf %scan3A_178, %min3A_202 : vector<16xf32>
        %max3A_205 = arith.maximumf %scan3A_179, %min3A_204 : vector<16xf32>
        %add3A_206 = arith.constant 16 : i32
        %add3A_207 = arith.addi %mul3A_195, %add3A_206 : i32
        %get3A_208 = arith.index_cast %add3A_191 : i32 to index
        %get3A_209 = arith.index_cast %add3A_207 : i32 to index
        %get3A_210 = tpu.vector_load %arg4[%get3A_208, %get3A_209] {strides = array<i32>} : memref<16x1024xf32, #tpu.memory_space<vmem>>, vector<1x16xf32>,
        %get3A_211 = vector.shape_cast %get3A_210 : vector<1x16xf32> to vector<16xf32>
        %max3A_212 = arith.maximumf %scan3A_180, %get3A_211 : vector<16xf32>
        %min3A_213 = arith.minimumf %scan3A_180, %get3A_211 : vector<16xf32>
        %max3A_214 = arith.maximumf %scan3A_181, %min3A_213 : vector<16xf32>
        %min3A_215 = arith.minimumf %scan3A_181, %min3A_213 : vector<16xf32>
        %max3A_216 = arith.maximumf %scan3A_182, %min3A_215 : vector<16xf32>
        %add3A_217 = arith.constant 32 : i32
        %add3A_218 = arith.addi %mul3A_195, %add3A_217 : i32
        %get3A_219 = arith.index_cast %add3A_191 : i32 to index
        %get3A_220 = arith.index_cast %add3A_218 : i32 to index
        %get3A_221 = tpu.vector_load %arg4[%get3A_219, %get3A_220] {strides = array<i32>} : memref<16x1024xf32, #tpu.memory_space<vmem>>, vector<1x16xf32>,
        %get3A_222 = vector.shape_cast %get3A_221 : vector<1x16xf32> to vector<16xf32>
        %max3A_223 = arith.maximumf %scan3A_183, %get3A_222 : vector<16xf32>
        %min3A_224 = arith.minimumf %scan3A_183, %get3A_222 : vector<16xf32>
        %max3A_225 = arith.maximumf %scan3A_184, %min3A_224 : vector<16xf32>
        %min3A_226 = arith.minimumf %scan3A_184, %min3A_224 : vector<16xf32>
        %max3A_227 = arith.maximumf %scan3A_185, %min3A_226 : vector<16xf32>
        %add3A_228 = arith.constant 48 : i32
        %add3A_229 = arith.addi %mul3A_195, %add3A_228 : i32
        %get3A_230 = arith.index_cast %add3A_191 : i32 to index
        %get3A_231 = arith.index_cast %add3A_229 : i32 to index
        %get3A_232 = tpu.vector_load %arg4[%get3A_230, %get3A_231] {strides = array<i32>} : memref<16x1024xf32, #tpu.memory_space<vmem>>, vector<1x16xf32>,
        %get3A_233 = vector.shape_cast %get3A_232 : vector<1x16xf32> to vector<16xf32>
        %max3A_234 = arith.maximumf %scan3A_186, %get3A_233 : vector<16xf32>
        %min3A_235 = arith.minimumf %scan3A_186, %get3A_233 : vector<16xf32>
        %max3A_236 = arith.maximumf %scan3A_187, %min3A_235 : vector<16xf32>
        %min3A_237 = arith.minimumf %scan3A_187, %min3A_235 : vector<16xf32>
        %max3A_238 = arith.maximumf %scan3A_188, %min3A_237 : vector<16xf32>
        %add3A_239 = arith.constant 64 : i32
        %add3A_240 = arith.addi %mul3A_195, %add3A_239 : i32
        %get3A_241 = arith.index_cast %add3A_191 : i32 to index
        %get3A_242 = arith.index_cast %add3A_240 : i32 to index
        %get3A_243 = tpu.vector_load %arg4[%get3A_241, %get3A_242] {strides = array<i32>} : memref<16x1024xf32, #tpu.memory_space<vmem>>, vector<1x16xf32>,
        %get3A_244 = vector.shape_cast %get3A_243 : vector<1x16xf32> to vector<16xf32>
        %max3A_245 = arith.maximumf %max3A_201, %get3A_244 : vector<16xf32>
        %min3A_246 = arith.minimumf %max3A_201, %get3A_244 : vector<16xf32>
        %max3A_247 = arith.maximumf %max3A_203, %min3A_246 : vector<16xf32>
        %min3A_248 = arith.minimumf %max3A_203, %min3A_246 : vector<16xf32>
        %max3A_249 = arith.maximumf %max3A_205, %min3A_248 : vector<16xf32>
        %add3A_250 = arith.constant 80 : i32
        %add3A_251 = arith.addi %mul3A_195, %add3A_250 : i32
        %get3A_252 = arith.index_cast %add3A_191 : i32 to index
        %get3A_253 = arith.index_cast %add3A_251 : i32 to index
        %get3A_254 = tpu.vector_load %arg4[%get3A_252, %get3A_253] {strides = array<i32>} : memref<16x1024xf32, #tpu.memory_space<vmem>>, vector<1x16xf32>,
        %get3A_255 = vector.shape_cast %get3A_254 : vector<1x16xf32> to vector<16xf32>
        %max3A_256 = arith.maximumf %max3A_212, %get3A_255 : vector<16xf32>
        %min3A_257 = arith.minimumf %max3A_212, %get3A_255 : vector<16xf32>
        %max3A_258 = arith.maximumf %max3A_214, %min3A_257 : vector<16xf32>
        %min3A_259 = arith.minimumf %max3A_214, %min3A_257 : vector<16xf32>
        %max3A_260 = arith.maximumf %max3A_216, %min3A_259 : vector<16xf32>
        %add3A_261 = arith.constant 96 : i32
        %add3A_262 = arith.addi %mul3A_195, %add3A_261 : i32
        %get3A_263 = arith.index_cast %add3A_191 : i32 to index
        %get3A_264 = arith.index_cast %add3A_262 : i32 to index
        %get3A_265 = tpu.vector_load %arg4[%get3A_263, %get3A_264] {strides = array<i32>} : memref<16x1024xf32, #tpu.memory_space<vmem>>, vector<1x16xf32>,
        %get3A_266 = vector.shape_cast %get3A_265 : vector<1x16xf32> to vector<16xf32>
        %max3A_267 = arith.maximumf %max3A_223, %get3A_266 : vector<16xf32>
        %min3A_268 = arith.minimumf %max3A_223, %get3A_266 : vector<16xf32>
        %max3A_269 = arith.maximumf %max3A_225, %min3A_268 : vector<16xf32>
        %min3A_270 = arith.minimumf %max3A_225, %min3A_268 : vector<16xf32>
        %max3A_271 = arith.maximumf %max3A_227, %min3A_270 : vector<16xf32>
        %add3A_272 = arith.constant 112 : i32
        %add3A_273 = arith.addi %mul3A_195, %add3A_272 : i32
        %get3A_274 = arith.index_cast %add3A_191 : i32 to index
        %get3A_275 = arith.index_cast %add3A_273 : i32 to index
        %get3A_276 = tpu.vector_load %arg4[%get3A_274, %get3A_275] {strides = array<i32>} : memref<16x1024xf32, #tpu.memory_space<vmem>>, vector<1x16xf32>,
        %get3A_277 = vector.shape_cast %get3A_276 : vector<1x16xf32> to vector<16xf32>
        %max3A_278 = arith.maximumf %max3A_234, %get3A_277 : vector<16xf32>
        %min3A_279 = arith.minimumf %max3A_234, %get3A_277 : vector<16xf32>
        %max3A_280 = arith.maximumf %max3A_236, %min3A_279 : vector<16xf32>
        %min3A_281 = arith.minimumf %max3A_236, %min3A_279 : vector<16xf32>
        %max3A_282 = arith.maximumf %max3A_238, %min3A_281 : vector<16xf32>
        scf.yield %max3A_245, %max3A_247, %max3A_249, %max3A_256, %max3A_258, %max3A_260, %max3A_267, %max3A_269, %max3A_271, %max3A_278, %max3A_280, %max3A_282 : vector<16xf32>, vector<16xf32>, vector<16xf32>, vector<16xf32>, vector<16xf32>, vector<16xf32>, vector<16xf32>, vector<16xf32>, vector<16xf32>, vector<16xf32>, vector<16xf32>, vector<16xf32>
      }
      %scan3A_170 = arith.constant 64 : i32
      %lt3A_171 = arith.constant 3 : i32
      %lt3A_172 = arith.cmpi slt, %scan3A_118, %lt3A_171 : i32
      %convert_element_type3A_173 = arith.extui %lt3A_172 : i1 to i32
      %cond3A_174 = arith.constant 0 : i32
      %cond3A_175 = arith.cmpi ne, %convert_element_type3A_173, %cond3A_174 : i32
      scf.if %cond3A_175 {
        %add3A_176 = arith.constant 3 : i32
        %add3A_177 = arith.addi %mul3A_132, %add3A_176 : i32
        %mul3A_178 = arith.constant 1024 : i32
        %mul3A_179 = arith.muli %add3A_177, %mul3A_178 : i32
        %add3A_180 = arith.addi %mul3A_34, %mul3A_179 : i32
        %dma_start3A_181 = arith.constant 8 : i32
        %dma_start3A_182 = arith.constant 0 : i32
        %dma_start3A_183 = tpu.memref_slice %arg4[%dma_start3A_181, %dma_start3A_182] : memref<16x1024xf32, #tpu.memory_space<vmem>> -> memref<8x1024xf32, #tpu.memory_space<vmem>>
        %dma_start3A_184 = tpu.memref_slice %arg2[%mul3A_18, %add3A_180] : memref<64x32768xf32, #tpu.memory_space<hbm>> -> memref<8x1024xf32, #tpu.memory_space<hbm>>
        %dma_start3A_185 = arith.constant 8 : i32
        %dma_start3A_186 = arith.constant 0 : i32
        %dma_start3A_187 = tpu.memref_slice %arg4[%dma_start3A_185, %dma_start3A_186] : memref<16x1024xf32, #tpu.memory_space<vmem>> -> memref<8x1024xf32, #tpu.memory_space<vmem>>
        %dma_start3A_188 = tpu.memref_slice %arg2[%mul3A_18, %add3A_180] : memref<64x32768xf32, #tpu.memory_space<hbm>> -> memref<8x1024xf32, #tpu.memory_space<hbm>>
        tpu.enqueue_dma source(%dma_start3A_188 : memref<8x1024xf32, #tpu.memory_space<hbm>>) target(%dma_start3A_187 : memref<8x1024xf32, #tpu.memory_space<vmem>>) target_semaphore(%arg7 : memref<!tpu.dma_semaphore, #tpu.memory_space<semaphore_mem>>)
      } else {
      }
      scf.yield %scan3A_169#0, %scan3A_169#1, %scan3A_169#2, %scan3A_169#3, %scan3A_169#4, %scan3A_169#5, %scan3A_169#6, %scan3A_169#7, %scan3A_169#8, %scan3A_169#9, %scan3A_169#10, %scan3A_169#11 : vector<16xf32>, vector<16xf32>, vector<16xf32>, vector<16xf32>, vector<16xf32>, vector<16xf32>, vector<16xf32>, vector<16xf32>, vector<16xf32>, vector<16xf32>, vector<16xf32>, vector<16xf32>
    }
    %scan3A_59 = arith.constant 4 : i32
    %max3A = arith.maximumf %scan3A_58#0, %scan3A_58#3 : vector<16xf32>
    %min3A = arith.minimumf %scan3A_58#0, %scan3A_58#3 : vector<16xf32>
    %max3A_60 = arith.maximumf %scan3A_58#1, %min3A : vector<16xf32>
    %min3A_61 = arith.minimumf %scan3A_58#1, %min3A : vector<16xf32>
    %max3A_62 = arith.maximumf %scan3A_58#2, %min3A_61 : vector<16xf32>
    %max3A_63 = arith.maximumf %max3A, %scan3A_58#4 : vector<16xf32>
    %min3A_64 = arith.minimumf %max3A, %scan3A_58#4 : vector<16xf32>
    %max3A_65 = arith.maximumf %max3A_60, %min3A_64 : vector<16xf32>
    %min3A_66 = arith.minimumf %max3A_60, %min3A_64 : vector<16xf32>
    %max3A_67 = arith.maximumf %max3A_62, %min3A_66 : vector<16xf32>
    %max3A_68 = arith.maximumf %max3A_63, %scan3A_58#5 : vector<16xf32>
    %min3A_69 = arith.minimumf %max3A_63, %scan3A_58#5 : vector<16xf32>
    %max3A_70 = arith.maximumf %max3A_65, %min3A_69 : vector<16xf32>
    %min3A_71 = arith.minimumf %max3A_65, %min3A_69 : vector<16xf32>
    %max3A_72 = arith.maximumf %max3A_67, %min3A_71 : vector<16xf32>
    %max3A_73 = arith.maximumf %max3A_68, %scan3A_58#6 : vector<16xf32>
    %min3A_74 = arith.minimumf %max3A_68, %scan3A_58#6 : vector<16xf32>
    %max3A_75 = arith.maximumf %max3A_70, %min3A_74 : vector<16xf32>
    %min3A_76 = arith.minimumf %max3A_70, %min3A_74 : vector<16xf32>
    %max3A_77 = arith.maximumf %max3A_72, %min3A_76 : vector<16xf32>
    %max3A_78 = arith.maximumf %max3A_73, %scan3A_58#7 : vector<16xf32>
    %min3A_79 = arith.minimumf %max3A_73, %scan3A_58#7 : vector<16xf32>
    %max3A_80 = arith.maximumf %max3A_75, %min3A_79 : vector<16xf32>
    %min3A_81 = arith.minimumf %max3A_75, %min3A_79 : vector<16xf32>
    %max3A_82 = arith.maximumf %max3A_77, %min3A_81 : vector<16xf32>
    %max3A_83 = arith.maximumf %max3A_78, %scan3A_58#8 : vector<16xf32>
    %min3A_84 = arith.minimumf %max3A_78, %scan3A_58#8 : vector<16xf32>
    %max3A_85 = arith.maximumf %max3A_80, %min3A_84 : vector<16xf32>
    %min3A_86 = arith.minimumf %max3A_80, %min3A_84 : vector<16xf32>
    %max3A_87 = arith.maximumf %max3A_82, %min3A_86 : vector<16xf32>
    %max3A_88 = arith.maximumf %max3A_83, %scan3A_58#9 : vector<16xf32>
    %min3A_89 = arith.minimumf %max3A_83, %scan3A_58#9 : vector<16xf32>
    %max3A_90 = arith.maximumf %max3A_85, %min3A_89 : vector<16xf32>
    %min3A_91 = arith.minimumf %max3A_85, %min3A_89 : vector<16xf32>
    %max3A_92 = arith.maximumf %max3A_87, %min3A_91 : vector<16xf32>
    %max3A_93 = arith.maximumf %max3A_88, %scan3A_58#10 : vector<16xf32>
    %min3A_94 = arith.minimumf %max3A_88, %scan3A_58#10 : vector<16xf32>
    %max3A_95 = arith.maximumf %max3A_90, %min3A_94 : vector<16xf32>
    %min3A_96 = arith.minimumf %max3A_90, %min3A_94 : vector<16xf32>
    %max3A_97 = arith.maximumf %max3A_92, %min3A_96 : vector<16xf32>
    %max3A_98 = arith.maximumf %max3A_93, %scan3A_58#11 : vector<16xf32>
    %min3A_99 = arith.minimumf %max3A_93, %scan3A_58#11 : vector<16xf32>
    %max3A_100 = arith.maximumf %max3A_95, %min3A_99 : vector<16xf32>
    %min3A_101 = arith.minimumf %max3A_95, %min3A_99 : vector<16xf32>
    %max3A_102 = arith.maximumf %max3A_97, %min3A_101 : vector<16xf32>
    %swap3A = arith.constant 0 : index
    %swap3A_103 = tpu.vector_load %arg5[%swap3A] {strides = array<i32>} : memref<48xf32, #tpu.memory_space<vmem>>, vector<16xf32>,
    %swap3A_104 = vector.shape_cast %swap3A_103 : vector<16xf32> to vector<16xf32>
    %swap3A_105 = vector.shape_cast %max3A_98 : vector<16xf32> to vector<16xf32>
    tpu.vector_store %arg5[%swap3A], %swap3A_105 {strides = array<i32>} : memref<48xf32, #tpu.memory_space<vmem>>, vector<16xf32>,
    %swap3A_106 = arith.constant 16 : index
    %swap3A_107 = tpu.vector_load %arg5[%swap3A_106] {strides = array<i32>} : memref<48xf32, #tpu.memory_space<vmem>>, vector<16xf32>,
    %swap3A_108 = vector.shape_cast %swap3A_107 : vector<16xf32> to vector<16xf32>
    %swap3A_109 = vector.shape_cast %max3A_100 : vector<16xf32> to vector<16xf32>
    tpu.vector_store %arg5[%swap3A_106], %swap3A_109 {strides = array<i32>} : memref<48xf32, #tpu.memory_space<vmem>>, vector<16xf32>,
    %swap3A_110 = arith.constant 32 : index
    %swap3A_111 = tpu.vector_load %arg5[%swap3A_110] {strides = array<i32>} : memref<48xf32, #tpu.memory_space<vmem>>, vector<16xf32>,
    %swap3A_112 = vector.shape_cast %swap3A_111 : vector<16xf32> to vector<16xf32>
    %swap3A_113 = vector.shape_cast %max3A_102 : vector<16xf32> to vector<16xf32>
    tpu.vector_store %arg5[%swap3A_110], %swap3A_113 {strides = array<i32>} : memref<48xf32, #tpu.memory_space<vmem>>, vector<16xf32>,
    %mul3A_114 = arith.constant 3 : i32
    %mul3A_115 = arith.muli %add3A, %mul3A_114 : i32
    %mul3A_116 = arith.constant 16 : i32
    %mul3A_117 = arith.muli %mul3A_115, %mul3A_116 : i32
    "tpu.region"() ({
      %run_scoped3A = tpu.sem_alloc : memref<!tpu.dma_semaphore, #tpu.memory_space<semaphore_mem>>
      %dma_start3A_118 = tpu.memref_slice %arg3[%mul3A_117] : memref<1536xf32, #tpu.memory_space<hbm>> -> memref<48xf32, #tpu.memory_space<hbm>>
      %dma_start3A_119 = tpu.memref_slice %arg3[%mul3A_117] : memref<1536xf32, #tpu.memory_space<hbm>> -> memref<48xf32, #tpu.memory_space<hbm>>
      tpu.enqueue_dma source(%arg5 : memref<48xf32, #tpu.memory_space<vmem>>) target(%dma_start3A_119 : memref<48xf32, #tpu.memory_space<hbm>>) target_semaphore(%run_scoped3A : memref<!tpu.dma_semaphore, #tpu.memory_space<semaphore_mem>>)
      %dma_wait3A = tpu.memref_slice %arg3[%mul3A_117] : memref<1536xf32, #tpu.memory_space<hbm>> -> memref<48xf32, #tpu.memory_space<hbm>>
      %dma_wait3A_120 = tpu.memref_slice %arg3[%mul3A_117] : memref<1536xf32, #tpu.memory_space<hbm>> -> memref<48xf32, #tpu.memory_space<hbm>>
      tpu.wait_dma2 semaphore(%run_scoped3A : memref<!tpu.dma_semaphore, #tpu.memory_space<semaphore_mem>>) src(%arg5 : memref<48xf32, #tpu.memory_space<vmem>>) dst(%dma_wait3A_120 : memref<48xf32, #tpu.memory_space<hbm>>)
      tpu.yield
    }) : () -> ()
    return
  }
}

module attributes {stable_mosaic.version = 14 : i64} {
  func.func @body(%arg0: memref<1536xf32, #tpu.memory_space<vmem>>, %arg1: memref<1x1xf32, #tpu.memory_space<smem>>) attributes {dimension_semantics = [], scalar_prefetch = 0 : i64, scratch_operands = 0 : i64, tpu.core_type = #tpu.core_type<tc>} {
    %get3A = arith.constant 0 : index
    %get3A_0 = vector.load %arg0[%get3A] : memref<1536xf32, #tpu.memory_space<vmem>>, vector<1536xf32>
    %reshape3A = vector.shape_cast %get3A_0 : vector<1536xf32> to vector<12x128xf32>
    %iota3A = tpu.iota {dimensions = array<i32: 0>} : vector<12x128xi32>
    %iota3A_1 = tpu.iota {dimensions = array<i32: 1>} : vector<12x128xi32>
    %mul3A = arith.constant 128 : i32
    %mul3A_2 = vector.broadcast %mul3A : i32 to vector<12x128xi32>
    %mul3A_3 = arith.muli %iota3A, %mul3A_2 : vector<12x128xi32>
    %add3A = arith.addi %mul3A_3, %iota3A_1 : vector<12x128xi32>
    %reduce_max3A = vector.shape_cast %reshape3A : vector<12x128xf32> to vector<1x12x128xf32>
    %reduce_max3A_4 = arith.constant dense<0xFF800000> : vector<1xf32>
    %reduce_max3A_5 = vector.multi_reduction <maximumf>, %reduce_max3A, %reduce_max3A_4 [1, 2] : vector<1x12x128xf32> to vector<1xf32>
    %reduce_max3A_6 = vector.shape_cast %reduce_max3A_5 : vector<1xf32> to vector<1x1x1xf32>
    %reduce_max3A_7 = vector.extract %reduce_max3A_6[0, 0, 0] : f32 from vector<1x1x1xf32>
    %eq3A = vector.broadcast %reduce_max3A_7 : f32 to vector<12x128xf32>
    %eq3A_8 = arith.cmpf oeq, %reshape3A, %eq3A : vector<12x128xf32>
    %jit3A = arith.constant 1073741824 : i32
    %broadcast_in_dim3A = vector.broadcast %jit3A : i32 to vector<12x128xi32>
    %select_n3A = arith.select %eq3A_8, %add3A, %broadcast_in_dim3A : vector<12x128xi1>, vector<12x128xi32>
    %reduce_min3A = vector.shape_cast %select_n3A : vector<12x128xi32> to vector<1x12x128xi32>
    %reduce_min3A_9 = arith.constant dense<2147483647> : vector<1xi32>
    %reduce_min3A_10 = vector.multi_reduction <minsi>, %reduce_min3A, %reduce_min3A_9 [1, 2] : vector<1x12x128xi32> to vector<1xi32>
    %reduce_min3A_11 = vector.shape_cast %reduce_min3A_10 : vector<1xi32> to vector<1x1x1xi32>
    %reduce_min3A_12 = vector.extract %reduce_min3A_11[0, 0, 0] : i32 from vector<1x1x1xi32>
    %eq3A_13 = vector.broadcast %reduce_min3A_12 : i32 to vector<12x128xi32>
    %eq3A_14 = arith.cmpi eq, %add3A, %eq3A_13 : vector<12x128xi32>
    %jit3A_15 = arith.constant 0xFF800000 : f32
    %broadcast_in_dim3A_16 = vector.broadcast %jit3A_15 : f32 to vector<12x128xf32>
    %select_n3A_17 = arith.select %eq3A_14, %broadcast_in_dim3A_16, %reshape3A : vector<12x128xi1>, vector<12x128xf32>
    %sub3A = arith.constant 1.000000e+00 : f32
    %sub3A_18 = arith.subf %sub3A, %reduce_max3A_7 : f32
    %log3A = math.log %sub3A_18 : f32
    %sub3A_19 = arith.constant 0.000000e+00 : f32
    %sub3A_20 = arith.subf %sub3A_19, %log3A : f32
    %reduce_max3A_21 = vector.shape_cast %select_n3A_17 : vector<12x128xf32> to vector<1x12x128xf32>
    %reduce_max3A_22 = arith.constant dense<0xFF800000> : vector<1xf32>
    %reduce_max3A_23 = vector.multi_reduction <maximumf>, %reduce_max3A_21, %reduce_max3A_22 [1, 2] : vector<1x12x128xf32> to vector<1xf32>
    %reduce_max3A_24 = vector.shape_cast %reduce_max3A_23 : vector<1xf32> to vector<1x1x1xf32>
    %reduce_max3A_25 = vector.extract %reduce_max3A_24[0, 0, 0] : f32 from vector<1x1x1xf32>
    %eq3A_26 = vector.broadcast %reduce_max3A_25 : f32 to vector<12x128xf32>
    %eq3A_27 = arith.cmpf oeq, %select_n3A_17, %eq3A_26 : vector<12x128xf32>
    %jit3A_28 = arith.constant 1073741824 : i32
    %broadcast_in_dim3A_29 = vector.broadcast %jit3A_28 : i32 to vector<12x128xi32>
    %select_n3A_30 = arith.select %eq3A_27, %add3A, %broadcast_in_dim3A_29 : vector<12x128xi1>, vector<12x128xi32>
    %reduce_min3A_31 = vector.shape_cast %select_n3A_30 : vector<12x128xi32> to vector<1x12x128xi32>
    %reduce_min3A_32 = arith.constant dense<2147483647> : vector<1xi32>
    %reduce_min3A_33 = vector.multi_reduction <minsi>, %reduce_min3A_31, %reduce_min3A_32 [1, 2] : vector<1x12x128xi32> to vector<1xi32>
    %reduce_min3A_34 = vector.shape_cast %reduce_min3A_33 : vector<1xi32> to vector<1x1x1xi32>
    %reduce_min3A_35 = vector.extract %reduce_min3A_34[0, 0, 0] : i32 from vector<1x1x1xi32>
    %eq3A_36 = vector.broadcast %reduce_min3A_35 : i32 to vector<12x128xi32>
    %eq3A_37 = arith.cmpi eq, %add3A, %eq3A_36 : vector<12x128xi32>
    %jit3A_38 = arith.constant 0xFF800000 : f32
    %broadcast_in_dim3A_39 = vector.broadcast %jit3A_38 : f32 to vector<12x128xf32>
    %select_n3A_40 = arith.select %eq3A_37, %broadcast_in_dim3A_39, %select_n3A_17 : vector<12x128xi1>, vector<12x128xf32>
    %sub3A_41 = arith.constant 1.000000e+00 : f32
    %sub3A_42 = arith.subf %sub3A_41, %reduce_max3A_25 : f32
    %log3A_43 = math.log %sub3A_42 : f32
    %sub3A_44 = arith.subf %sub3A_20, %log3A_43 : f32
    %reduce_max3A_45 = vector.shape_cast %select_n3A_40 : vector<12x128xf32> to vector<1x12x128xf32>
    %reduce_max3A_46 = arith.constant dense<0xFF800000> : vector<1xf32>
    %reduce_max3A_47 = vector.multi_reduction <maximumf>, %reduce_max3A_45, %reduce_max3A_46 [1, 2] : vector<1x12x128xf32> to vector<1xf32>
    %reduce_max3A_48 = vector.shape_cast %reduce_max3A_47 : vector<1xf32> to vector<1x1x1xf32>
    %reduce_max3A_49 = vector.extract %reduce_max3A_48[0, 0, 0] : f32 from vector<1x1x1xf32>
    %sub3A_50 = arith.constant 1.000000e+00 : f32
    %sub3A_51 = arith.subf %sub3A_50, %reduce_max3A_49 : f32
    %log3A_52 = math.log %sub3A_51 : f32
    %sub3A_53 = arith.subf %sub3A_44, %log3A_52 : f32
    %swap3A = arith.constant 0 : index
    %swap3A_54 = arith.constant 0 : index
    %swap3A_55 = memref.load %arg1[%swap3A, %swap3A_54] : memref<1x1xf32, #tpu.memory_space<smem>>
    memref.store %sub3A_53, %arg1[%swap3A, %swap3A_54] : memref<1x1xf32, #tpu.memory_space<smem>>
    return
  }
}

</mosaic_0001>

<sc_bundles>
// kernel: kernel.4.cloned.1.call-start
scs
__scs_entry_jumppad:
0x0: {  	(pc) =	sbr.rel $0x88, $3  }
0x1: {  	(tag) =	ssettag $0x0;
	lr =	simm.s32 $0x1  }
0x2: {  	[smem:$0x3FA0] =	sst lr;
	_ =	strace $0xD0000000  }
0x3: {  	_ = 	snop  }
0x4: {  	_ = 	snop  }
0x5: {  	_ = 	snop  }
0x6: {  	_ = 	snop  }
0x7: {  	_ = 	snop  }
__scs_overlays_trampoline_lowered:
0x8: {  	[smem:$0x3FAF] =	sst s0  }
0x9: {  	[smem:$0x3FB0] =	sst s1  }
0xa: {  	[smem:$0x3FB1] =	sst s2  }
0xb: {  	[smem:$0x3FB2] =	sst s3  }
0xc: {  	[smem:$0x3FB3] =	sst s4  }
0xd: {  	[smem:$0x3FB4] =	sst s5  }
0xe: {  	[smem:$0x3FB5] =	sst s6  }
0xf: {  	[smem:$0x3FB6] =	sst s7  }
0x10: {  	[smem:$0x3FB7] =	sst s8  }
0x11: {  	[smem:$0x3FB8] =	sst s9;
	s0 =	simm.s32 @!p0 $0x0  }
0x12: {  	s1 =	sld [smem:$0x3F9E];
	s0 =	simm.s32 @p0 $0x1  }
0x13: {  	[smem:$0x3FB9] =	sst s0;
	s0 =	simm.s32 @!p1 $0x0  }
0x14: {  	s2 =	sld [smem:$0x3F9D];
	s0 =	simm.s32 @p1 $0x1  }
0x15: {  	[smem:$0x3FBA] =	sst s0;
	s0 =	simm.s32 @!p2 $0x0  }
0x16: {  	s3 =	sld [smem:$0x3FDB];
	s0 =	simm.s32 @p2 $0x1  }
0x17: {  	s4 =	simm.s32 $0x1BF5;
	[smem:$0x3FBC] =	sst s0  }
0x18: {  	s0 =	sld [smem:$0x3F9F];
	_ =	swait.ge [sflag:s4], $0x0  }
0x19: {  	s7 =	sld [smem:$0x3FA0]  }
0x1a: {  	s8 =	sadd.s32 $0xFFFFE003, lr  }
0x1b: {  	s9 =	sadd.s32 $0xFFFFFEF7, lr;
	s5 =	simm.s32 $0xFFFFFFFF;
	p2 =	slt.u32 s8, $0xFFFFF086  }
0x1c: {  	p1 =	slt.u32 s9, $0xF7A;
	s5 =	simm.s32 @!p2 $0x0  }
0x1d: {  	s5 =	simm.s32 @p1 $0x1;
	p0 =	seq.s32 s7, s2  }
0x1e: {  	s7 =	smul.u32 @!p0 $0xF7A, s2;
	p2 =	seq.s32 @!p0 s5, $0x0  }
0x1f: {  	s9 =	smul.u32 $0xF7A, s1;
	s8 =	simm.s32 @!p0 $0x1BF5;
	p2 =	por !p2, p0  }
0x20: {  	[sflag:s8] =	ssyncset.s32 @!p0 $0xFFFFF086;
	s6 =	sadd.s32 @!p0 s3, s7;
	s7 =	simm.s32 @!p0 $0x108  }
0x21: {  	s3 =	sadd.s32 s3, s9;
	s6 =	sadd.s32 @!p0 $0x88, s6;
	s7 =	simm.s32 @p2 $0x1082  }
0x22: {  	[simem:s7], [sflag:s8] =	dma.local @!p0 [hbm:s6], $0xF7A  }
0x23: {  	s9 =	sor.u32 $0xD0000000, s2;
	s6 =	simm.s32 $0x108;
	_ =	swait.ge @!p0 [sflag:s8], $0x0  }
0x24: {  	s3 =	sadd.s32 $0x88, s3;
	s6 =	simm.s32 @!p1 $0x1082;
	[sflag:s4] =	ssyncset.s32 $0xFFFFF086  }
0x25: {  	[simem:s6], [sflag:s4] =	dma.local [hbm:s3], $0xF7A  }
0x26: {  	[smem:$0x3FA0] =	sst s1;
	(tag) =	ssettag s2;
	_ =	strace s9  }
0x27: {  	s1 =	sld [smem:$0x3FB0]  }
0x28: {  	s2 =	sld [smem:$0x3FB1]  }
0x29: {  	s4 =	sld [smem:$0x3FB3]  }
0x2a: {  	p0 =	seq.s32 s5, $0x0;
	s5 =	sld [smem:$0x3FB4]  }
0x2b: {  	s6 =	sld [smem:$0x3FB5]  }
0x2c: {  	s7 =	sld [smem:$0x3FB6]  }
0x2d: {  	s3 =	simm.s32 $0x108;
	s8 =	sld [smem:$0x3FB7]  }
0x2e: {  	s3 =	simm.s32 @!p0 $0x1082;
	s9 =	sld [smem:$0x3FB8]  }
0x2f: {  	lr =	sadd.s32 s0, s3;
	s0 =	sld [smem:$0x3FAF]  }
0x30: {  	s3 =	sld [smem:$0x3FB2]  }
0x31: {  	[smem:$0x3FBB] =	sst s10  }
0x32: {  	s10 =	sld [smem:$0x3FB9];
	_ =	sdelay $0x3  }
0x33: {  	p0 =	seq.s32 s10, $0x1;
	s10 =	sld [smem:$0x3FBB];
	_ =	sdelay $0x3  }
0x34: {  	[smem:$0x3FBB] =	sst s10  }
0x35: {  	s10 =	sld [smem:$0x3FBA];
	_ =	sdelay $0x3  }
0x36: {  	p1 =	seq.s32 s10, $0x1;
	s10 =	sld [smem:$0x3FBB];
	_ =	sdelay $0x3  }
0x37: {  	[smem:$0x3FBB] =	sst s10  }
0x38: {  	s10 =	sld [smem:$0x3FBC]  }
0x39: {  	_ = 	snop;
	(pc) =	sbr.ind lr, $3  }
0x3a: {  	_ = 	snop  }
0x3b: {  	_ = 	snop  }
0x3c: {  	p2 =	seq.s32 s10, $0x1;
	s10 =	sld [smem:$0x3FBB]  }
0x3d: {  	_ =	shalt  }
0x3e: {  	_ =	shalt  }
0x3f: {  	_ =	shalt  }
0x40: {  	_ =	shalt  }
0x41: {  	_ =	shalt  }
0x42: {  	_ =	shalt  }
0x43: {  	_ =	shalt  }
0x44: {  	_ =	shalt  }
0x45: {  	_ =	shalt  }
0x46: {  	_ =	shalt  }
0x47: {  	_ =	shalt  }
0x48: {  	_ =	shalt  }
0x49: {  	_ =	shalt  }
0x4a: {  	_ =	shalt  }
0x4b: {  	_ =	shalt  }
0x4c: {  	_ =	shalt  }
0x4d: {  	_ =	shalt  }
0x4e: {  	_ =	shalt  }
0x4f: {  	_ =	shalt  }
0x50: {  	_ =	shalt  }
0x51: {  	_ =	shalt  }
0x52: {  	_ =	shalt  }
0x53: {  	_ =	shalt  }
0x54: {  	_ =	shalt  }
0x55: {  	_ =	shalt  }
0x56: {  	_ =	shalt  }
0x57: {  	_ =	shalt  }
0x58: {  	_ =	shalt  }
0x59: {  	_ =	shalt  }
0x5a: {  	_ =	shalt  }
0x5b: {  	_ =	shalt  }
0x5c: {  	_ =	shalt  }
0x5d: {  	_ =	shalt  }
0x5e: {  	_ =	shalt  }
0x5f: {  	_ =	shalt  }
0x60: {  	_ =	shalt  }
0x61: {  	_ =	shalt  }
0x62: {  	_ =	shalt  }
0x63: {  	_ =	shalt  }
0x64: {  	_ =	shalt  }
0x65: {  	_ =	shalt  }
0x66: {  	_ =	shalt  }
0x67: {  	_ =	shalt  }
0x68: {  	_ =	shalt  }
0x69: {  	_ =	shalt  }
0x6a: {  	_ =	shalt  }
0x6b: {  	_ =	shalt  }
0x6c: {  	_ =	shalt  }
0x6d: {  	_ =	shalt  }
0x6e: {  	_ =	shalt  }
0x6f: {  	_ =	shalt  }
0x70: {  	_ =	shalt  }
0x71: {  	_ =	shalt  }
0x72: {  	_ =	shalt  }
0x73: {  	_ =	shalt  }
0x74: {  	_ =	shalt  }
0x75: {  	_ =	shalt  }
0x76: {  	_ =	shalt  }
0x77: {  	_ =	shalt  }
0x78: {  	_ =	shalt  }
0x79: {  	_ =	shalt  }
0x7a: {  	_ =	shalt  }
0x7b: {  	_ =	shalt  }
0x7c: {  	_ =	shalt  }
0x7d: {  	_ =	shalt  }
0x7e: {  	_ =	shalt  }
0x7f: {  	_ =	shalt  }
0x80: {  	_ =	shalt  }
0x81: {  	_ =	shalt  }
0x82: {  	_ =	shalt  }
0x83: {  	_ =	shalt  }
0x84: {  	_ =	shalt  }
0x85: {  	_ =	shalt  }
0x86: {  	_ =	shalt  }
0x87: {  	_ =	shalt  }
.Lfunc_end0:
.L_simem_size_0:
called_computation_lowered:
.L_overlay_start_0:
0x88: {  	s2 =	sld [smem:$0x3FD9]  }
0x89: {  	s3 =	sld [smem:$0x3FFE];
	_ =	sdelay $0x1  }
0x8a: {  	s1 =	srdreg.scid  }
0x8b: {  	s0 =	sand.u32 $0x1, s1  }
0x8c: {  	s17 =	sshll.u32 s0, $0xA;
	s2 =	sadd.s32 s3, s2  }
0x8d: {  	s2 =	sadd.s32 s2, s17  }
0x8e: {  	[smem:$0x3FC7] =	sst s2  }
0x8f: {  	_ = 	snop  }
0x90: {  	s2 =	sld [smem:$0x3FC9];
	(tm) =	ssettm $0x1  }
0x91: {  	s18 =	sld [smem:$0x3FFB];
	_ =	sdelay $0x3  }
0x92: {  	_ =	strace s18  }
0x93: {  	s3 =	sld [smem:$0x3FFC];
	_ =	sdelay $0x3  }
0x94: {  	_ =	strace s3  }
0x95: {  	s3 =	sld [smem:$0x3FFD];
	_ =	sdelay $0x3  }
0x96: {  	_ =	strace s3  }
0x97: {  	_ =	strace $0x8FFFFFFF  }
0x98: {  	s19 =	sld [smem:$0x3FDB];
	_ =	sdelay $0x1  }
0x99: {  	s4 =	simm.s32 $_scs_section_size  }
0x9a: {  	s5 =	simm.s32 $_size__tile_overlayer_lowered;
	s6 =	simm.s32 $_tile_overlayer_lowered  }
0x9b: {  	s22 =	simm.s32 $0x1BFF;
	s21 =	sshll.u32 s6, $0x1;
	s3 =	sadd.s32 s4, s19  }
0x9c: {  	s7 =	simm.s32 $0x0;
	s20 =	sshll.u32 s5, $0x1;
	s5 =	sadd.s32 s21, s3  }
0x9d: {  	[timem:s7], [sflag:s22] =	dma.local [hbm:s5], s20  }
0x9e: {  	_ =	swait.ge [sflag:s22], s20  }
0x9f: {  	s4 =	ssub.s32 $0x0, s20;
	[sflag:s22] =	ssyncset.done $0x0  }
0xa0: {  	[sflag:s22] =	ssyncadd.s32 s4;
	_ =	sdelay $0x1  }
0xa1: {  	s23 =	simm.s32 $0x1B8B  }
0xa2: {  	_ =	swait.ge [sflag:s23], $0x1  }
0xa3: {  	[sflag:s23] =	ssyncset.done $0x0  }
0xa4: {  	s25 =	simm.s32 $0x1B8E;
	s24 =	sld [smem:$0x3FFE];
	[sflag:s23] =	ssyncadd.s32 $0xFFFFFFFF  }
0xa5: {  	s26 =	simm.s32 $execute0_lowered;
	[smem:$0x3FD2] =	sst s25  }
0xa6: {  	s5 =	sshll.u32 s26, $0x1;
	_ =	strace $0x80000046;
	[dreg:$0x1] =	wrdreg $0xFFFFFFFF  }
0xa7: {  	s28 =	simm.s32 $_size_execute0_lowered;
	s3 =	sadd.s32 s3, s5;
	[dreg:$0x0] =	wrdreg $0x0  }
0xa8: {  	s5 =	sshll.u32 s28, $0x1;
	[dreg:$0x2] =	wrdreg s3  }
0xa9: {  	[dreg:$0x3] =	wrdreg s5  }
0xaa: {  	[dreg:$0x4] =	wrdreg $0xC0  }
0xab: {  	_ =	task [dreg:s7], $0x5FFFF  }
0xac: {  	[dreg:$0x1] =	wrdreg $0xFFFFFFFF  }
0xad: {  	[dreg:$0x0] =	wrdreg $0x60  }
0xae: {  	[dreg:$0x2] =	wrdreg s2  }
0xaf: {  	[dreg:$0x3] =	wrdreg s24  }
0xb0: {  	[dreg:$0x4] =	wrdreg $0x9  }
0xb1: {  	_ =	task.clear_ibuf [dreg:s7], $0x5FFFF;
	_ =	strace $0x90000046  }
0xb2: {  	s29 =	simm.s32 $0x9;
	_ =	strace $0x80000048  }
0xb3: {  	_ =	swait.ge [sflag:s29], $0x1  }
0xb4: {  	[sflag:s29] =	ssyncadd.s32 $0xFFFFFFFF  }
0xb5: {  	_ =	strace $0x90000048  }
0xb6: {  	_ =	sfence  }
0xb7: {  	s30 =	sld [smem:$0x0];
	_ =	sdelay $0x2  }
0xb8: {  	s31 =	sshll.u32 s1, $0xD;
	s1 =	sshrl.u32 s1, $0x2  }
0xb9: {  	s3 =	sand.u32 $0x4000, s31;
	s1 =	sadd.s32 s1, s30  }
0xba: {  	s0 =	sor.u32 s3, s0;
	s1 =	sshll.u32 s1, $0x11  }
0xbb: {  	s0 =	sor.u32 s1, s0  }
0xbc: {  	s0 =	sadd.s32 $0x8F2B, s0  }
0xbd: {  	[sflag:s0] =	ssyncadd.remote.s32 $0x1  }
0xbe: {  	_ =	sfence.sel $0xFFFF  }
0xbf: {  	[dreg:$0x0] =	wrdreg $0xFFFFFFFF;
	(pc) =	sbr.abs _section_cstart, $3  }
0xc0: {  	[dreg:$0x1] =	wrdreg $0xFFFFFFFF  }
0xc1: {  	_ =	task.clear_ibuf [dreg:s7], $0x2FFFF;
	_ =	strace $0x9FFFFFFF  }
0xc2: {  	(tm) =	ssettm $0x7FFFFFFF  }
0xc3: {  	_ =	shalt  }
tec
execute0_lowered:
.L_overlay_start_1:
0x0: {  	(tag) =	ssettag $0x1  }
0x1: {  	s1 =	srdreg.scid;
	s3 =	rddreg [dreg:$0x0]  }
0x2: {  	s0 =	stileid.u32;
	s5 =	rddreg [dreg:$0x1];
	s2 =	simm.s32 $0x0  }
0x3: {  	s11 =	simm.s32 $0x2;
	s12 =	simm.s32 $0x4000;
	s13 =	simm.s32 $0x3  }
0x4: {  	s14 =	simm.s32 $0x0;
	s4 =	sand.u32 $0x1, s1;
	s1 =	rddreg [dreg:$0x2]  }
0x5: {  	s25 =	sshll.u32 s0, $0x1;
	[smem:$0x7FF] =	sst s2;
	s28 =	sshll.u32 s0, $0x11  }
0x6: {  	s6 =	sor.u32 s4, s25;
	_ =	strace $0x80000047;
	s4 =	ssub.s32 $0x2, s4  }
0x7: {  	s7 =	smul.u32 $0x6, s6;
	s26 =	sand.u32 $0x3, s6;
	s6 =	sand.u32 $0x1C0000, s28  }
0x8: {  	s8 =	sshrl.u32 s4, $0x1;
	s9 =	sshll.u32 s26, $0x10;
	s10 =	sshrl.u32 s6, $0x3  }
0x9: {  	s8 =	ssub.s32 s4, s8;
	s7 =	sadd.s32 s7, s5;
	s5 =	sshll.u32 s26, $0xD  }
.Ltmp0:
0xa: {  	s6 =	sor.u32 s6, s9;
	s31 =	sadd.s32 s3, s10;
	(pc) =	sbr.rel .LBB2_1-.Ltmp0, $4  }
0xb: {  	s8 =	smax.u32 s8, $0x1;
	s9 =	simm.s32 $0x2000;
	s29 =	sshrl.u32 s6, $0x3  }
0xc: {  	s30 =	sor.u32 s5, s10;
	s7 =	sadd.s32 $0x600, s7;
	s10 =	simm.s32 $0x1  }
0xd: {  	s4 =	sadd.s32 s29, s3;
	s6 =	sadd.s32 s30, s3;
	s3 =	sadd.s32 s5, s31  }
0xe: {  	s4 =	sadd.s32 $0x400, s4;
	s5 =	sadd.s32 $0x800, s6;
	s6 =	sadd.s32 $0xC00, s6  }
.LBB2_8:
0xf: {  	v7 =	vmax.f32 v4, v13;
	v42 =	vmin.f32 v4, v13  }
0x10: {  	v9 =	vmax.f32 v5, v42;
	v4 =	vmin.f32 v5, v42;
	v43 =	vmin.f32 v7, v2  }
0x11: {  	v44 =	vmax.f32 v7, v2;
	v4 =	vmax.f32 v6, v4;
	v45 =	vmin.f32 v9, v43  }
0x12: {  	v5 =	vmax.f32 v9, v43;
	v46 =	vmin.f32 v44, v1;
	v47 =	vmax.f32 v44, v1  }
0x13: {  	v4 =	vmax.f32 v4, v45;
	v48 =	vmax.f32 v5, v46;
	v5 =	vmin.f32 v5, v46  }
0x14: {  	v49 =	vmax.f32 v47, v15;
	v1 =	vmin.f32 v47, v15;
	v4 =	vmax.f32 v4, v5  }
0x15: {  	v50 =	vmax.f32 v48, v1;
	v1 =	vmin.f32 v48, v1;
	v51 =	vmin.f32 v49, v3  }
0x16: {  	v52 =	vmax.f32 v49, v3;
	v1 =	vmax.f32 v4, v1;
	v53 =	vmin.f32 v50, v51  }
0x17: {  	v2 =	vmax.f32 v50, v51;
	v54 =	vmin.f32 v52, v0;
	v55 =	vmax.f32 v52, v0  }
0x18: {  	v1 =	vmax.f32 v1, v53;
	v56 =	vmax.f32 v2, v54;
	v2 =	vmin.f32 v2, v54  }
0x19: {  	v57 =	vmax.f32 v55, v8;
	v0 =	vmin.f32 v55, v8;
	v1 =	vmax.f32 v1, v2  }
0x1a: {  	v58 =	vmax.f32 v56, v0;
	v0 =	vmin.f32 v56, v0;
	v59 =	vmin.f32 v57, v14  }
0x1b: {  	v60 =	vmax.f32 v57, v14;
	v0 =	vmax.f32 v1, v0;
	v61 =	vmax.f32 v58, v59  }
0x1c: {  	v3 =	vmin.f32 v58, v59;
	v62 =	vmax.f32 v60, v12;
	v1 =	vmin.f32 v60, v12  }
0x1d: {  	s14 =	sadd.s32 $0x1, s14;
	v0 =	vmax.f32 v0, v3;
	v63 =	vmax.f32 v61, v1;
	v1 =	vmin.f32 v61, v1;
	[tilespmem:$0x4000] =	vst v62  }
0x1e: {  	p0 =	sne.s32 s14, s8;
	v0 =	vmax.f32 v0, v1;
	[tilespmem:$0x4010] =	vst v63  }
.Ltmp1:
0x1f: {  	[tilespmem:$0x4020] =	vst v0;
	(pc) =	sbr.rel @!p0 .LBB2_9-.Ltmp1, $4  }
0x20: {  	[hbm4b:s7+s2] =	stream.linear.scatter [tilespmem:s12], [sflag:$0x3], $0x30, $0x38;
	[tilespmem:$0x4080] =	vst v63  }
0x21: {  	_ =	swait.ge [sflag:s13], $0x30  }
0x22: {  	[sflag:s13] =	ssyncset.done $0x0  }
0x23: {  	[sflag:s13] =	ssyncadd.s32 $0xFFFFFFD0  }
.LBB2_1:
0x24: {  	v12 =	vimm.f32 $-Inf;
	v14 =	vimm.f32 $-Inf;
	v8 =	vimm.f32 $-Inf  }
0x25: {  	[tilespmem:s2], [sflag:$0x1] =	stream.linear.gather [hbm4b:s3+s2], $0x2000, $0x38;
	v0 =	vimm.f32 $-Inf;
	v3 =	vimm.f32 $-Inf;
	v15 =	vimm.f32 $-Inf;
	[tilespmem:$0x4080] =	vst v63  }
0x26: {  	v1 =	vimm.f32 $-Inf;
	v2 =	vimm.f32 $-Inf;
	v13 =	vimm.f32 $-Inf;
	s15 =	simm.s32 $0x0  }
0x27: {  	v6 =	vimm.f32 $-Inf;
	v5 =	vimm.f32 $-Inf;
	v4 =	vimm.f32 $-Inf;
	[tilespmem:s9], [sflag:$0x2] =	stream.linear.gather [hbm4b:s4+s2], $0x2000, $0x38;
	[tilespmem:$0x4080] =	vst v63  }
.LBB2_2:
0x28: {  	s16 =	simm.s32 $0x0  }
0x29: {  	_ =	swait.ge [sflag:s10], $0x2000;
	s17 =	sand.u32 $0x7000, s16  }
0x2a: {  	[sflag:s10] =	ssyncset.done $0x0;
	s16 =	sand.u32 $0x380, s16;
	s17 =	sshrl.u32 s17, $0x2  }
0x2b: {  	[sflag:s10] =	ssyncadd.s32 $0xFFFFE000;
	s17 =	sor.u32 s16, s17  }
0x2c: {  	v7 =	vld [tilespmem:s17+$0x70]  }
0x2d: {  	v11 =	vld [tilespmem:s17+$0x30]  }
0x2e: {  	v17 =	vld [tilespmem:s17+$0x20]  }
0x2f: {  	v16 =	vld [tilespmem:s17+$0x0]  }
0x30: {  	v10 =	vld [tilespmem:s17+$0x60];
	_ =	sdelay $0x1  }
0x31: {  	v9 =	vmax.f32 v8, v11;
	v19 =	vmin.f32 v8, v11;
	v8 =	vld [tilespmem:s17+$0x10]  }
0x32: {  	v11 =	vmax.f32 v15, v17;
	v18 =	vmax.f32 v14, v19;
	v20 =	vmin.f32 v14, v19;
	v14 =	vld [tilespmem:s17+$0x40]  }
0x33: {  	v15 =	vmin.f32 v15, v17;
	v17 =	vmax.f32 v4, v16;
	v19 =	vmin.f32 v9, v7  }
0x34: {  	s18 =	simm.s32 $0x1000;
	s16 =	simm.s32 $0x10;
	v20 =	vmax.f32 v12, v20;
	v12 =	vmin.f32 v11, v10;
	v21 =	vmin.f32 v18, v19  }
.LBB2_3:
0x35: {  	s19 =	sand.u32 $0x7000, s18  }
0x36: {  	p0 =	sne.s32 s16, $0x3F0;
	v22 =	vmax.f32 v13, v8;
	v19 =	vmax.f32 v18, v19;
	v20 =	vmax.f32 v20, v21;
	s20 =	smov.u32 s16;
	s16 =	sadd.s32 $0x10, s16  }
0x37: {  	v16 =	vmin.f32 v4, v16;
	s20 =	sand.u32 $0x380, s20;
	s19 =	sshrl.u32 s19, $0x2;
	v4 =	vmax.f32 v17, v14;
	v14 =	vmin.f32 v17, v14;
	v17 =	vld [tilespmem:s17+$0x50]  }
0x38: {  	v8 =	vmin.f32 v13, v8;
	v18 =	vmax.f32 v5, v16;
	v5 =	vmin.f32 v5, v16;
	s17 =	sor.u32 s20, s19  }
0x39: {  	v13 =	vmax.f32 v2, v8;
	v6 =	vmax.f32 v6, v5;
	v5 =	vmax.f32 v18, v14;
	v21 =	vld [tilespmem:s17+$0x70]  }
0x3a: {  	v24 =	vmax.f32 v3, v15;
	v3 =	vmin.f32 v3, v15;
	v14 =	vmin.f32 v18, v14;
	v23 =	vld [tilespmem:s17+$0x60]  }
0x3b: {  	v0 =	vmax.f32 v0, v3;
	v3 =	vmin.f32 v24, v12;
	v6 =	vmax.f32 v6, v14;
	v15 =	vld [tilespmem:s17+$0x30]  }
0x3c: {  	v2 =	vmin.f32 v2, v8;
	v0 =	vmax.f32 v0, v3;
	v18 =	vld [tilespmem:s17+$0x20];
	v8 =	vmin.f32 v22, v17  }
0x3d: {  	v1 =	vmax.f32 v1, v2;
	v16 =	vld [tilespmem:s17+$0x0];
	v2 =	vmax.f32 v13, v8;
	v3 =	vmin.f32 v13, v8  }
0x3e: {  	v25 =	vmax.f32 v11, v10;
	v8 =	vld [tilespmem:s17+$0x10];
	v1 =	vmax.f32 v1, v3;
	v3 =	vmax.f32 v24, v12  }
.Ltmp2:
0x3f: {  	v11 =	vmax.f32 v9, v7;
	v13 =	vmax.f32 v22, v17;
	v7 =	vmovc v21;
	v10 =	vmov v23;
	(pc) =	sbr.rel @p0 .LBB2_3-.Ltmp2, $4  }
0x40: {  	v9 =	vmax.f32 v11, v15;
	v12 =	vmin.f32 v11, v15;
	v14 =	vld [tilespmem:s17+$0x40]  }
0x41: {  	v11 =	vmax.f32 v25, v18;
	v15 =	vmin.f32 v25, v18;
	v18 =	vmax.f32 v19, v12  }
0x42: {  	v12 =	vmin.f32 v19, v12;
	v19 =	vmin.f32 v9, v7;
	v17 =	vmax.f32 v4, v16  }
0x43: {  	s18 =	sadd.s32 $0x1000, s18;
	v20 =	vmax.f32 v20, v12;
	v12 =	vmin.f32 v11, v10;
	v21 =	vmin.f32 v18, v19  }
0x44: {  	s16 =	sshll.u32 s15, $0xB;
	p0 =	seq.s32 s15, $0x3  }
0x45: {  	v22 =	vld [tilespmem:s17+$0x50];
	s17 =	sadd.s32 @!p0 s16, s5;
	s18 =	simm.s32 @!p0 $0x0  }
0x46: {  	v18 =	vmax.f32 v18, v19;
	[tilespmem:s18], [sflag:$0x1] =	stream.linear.gather @!p0 [hbm4b:s17+s18], $0x2000, $0x38;
	[tilespmem:$0x4080] =	vst v63  }
0x47: {  	v19 =	vmax.f32 v13, v8;
	v20 =	vmax.f32 v20, v21;
	v16 =	vmin.f32 v4, v16;
	s30 =	simm.s32 $0x0;
	s31 =	simm.s32 $0x0;
	_ =	swait.ge [sflag:s11], $0x2000  }
0x48: {  	v13 =	vmin.f32 v13, v8;
	v21 =	vmin.f32 v3, v15;
	v4 =	vmax.f32 v17, v14;
	s17 =	sand.u32 $0x380, s30;
	s18 =	sand.u32 $0x1C00, s31;
	[sflag:s11] =	ssyncset.done $0x0  }
0x49: {  	v14 =	vmin.f32 v17, v14;
	v17 =	vmin.f32 v5, v16;
	v16 =	vmax.f32 v5, v16;
	s17 =	sor.u32 s17, s18;
	[sflag:s11] =	ssyncadd.s32 $0xFFFFE000  }
0x4a: {  	v15 =	vmax.f32 v3, v15;
	v5 =	vmax.f32 v16, v14;
	v3 =	vmin.f32 v16, v14;
	v14 =	vld [tilespmem:s17+$0x2030]  }
0x4b: {  	v11 =	vmax.f32 v11, v10;
	v0 =	vmax.f32 v0, v21;
	v6 =	vmax.f32 v6, v17;
	v21 =	vld [tilespmem:s17+$0x2020]  }
0x4c: {  	v17 =	vmax.f32 v2, v13;
	v2 =	vmin.f32 v2, v13;
	v16 =	vmin.f32 v15, v12;
	v8 =	vld [tilespmem:s17+$0x2070]  }
0x4d: {  	v6 =	vmax.f32 v6, v3;
	v1 =	vmax.f32 v1, v2;
	v3 =	vmin.f32 v19, v22;
	v13 =	vld [tilespmem:s17+$0x2000]  }
0x4e: {  	v2 =	vmax.f32 v0, v16;
	v23 =	vmin.f32 v17, v3;
	v0 =	vmax.f32 v17, v3;
	v3 =	vld [tilespmem:s17+$0x2060]  }
0x4f: {  	v9 =	vmax.f32 v9, v7;
	v10 =	vmax.f32 v15, v12;
	v16 =	vmax.f32 v19, v22  }
0x50: {  	v17 =	vld [tilespmem:s17+$0x2010];
	v7 =	vmax.f32 v9, v14;
	v14 =	vmin.f32 v9, v14;
	v9 =	vmax.f32 v11, v21  }
0x51: {  	v15 =	vmin.f32 v11, v21;
	v12 =	vmax.f32 v18, v14;
	v11 =	vmin.f32 v18, v14;
	v18 =	vld [tilespmem:s17+$0x2040]  }
0x52: {  	v1 =	vmax.f32 v1, v23;
	v19 =	vmax.f32 v4, v13;
	v14 =	vmin.f32 v7, v8  }
0x53: {  	s19 =	simm.s32 $0x1000;
	s18 =	simm.s32 $0x10;
	v20 =	vmax.f32 v20, v11;
	v11 =	vmin.f32 v9, v3;
	v21 =	vmin.f32 v12, v14  }
.LBB2_5:
0x54: {  	s20 =	sshrl.u32 s19, $0x2  }
0x55: {  	p1 =	sne.s32 s18, $0x3F0;
	v22 =	vmax.f32 v16, v17;
	v14 =	vmax.f32 v12, v14;
	v20 =	vmax.f32 v20, v21;
	s21 =	smov.u32 s18;
	s18 =	sadd.s32 $0x10, s18  }
0x56: {  	v12 =	vmin.f32 v4, v13;
	s21 =	sand.u32 $0x380, s21;
	s20 =	sand.u32 $0x1C00, s20;
	v4 =	vmax.f32 v19, v18;
	v13 =	vmin.f32 v19, v18;
	v18 =	vld [tilespmem:s17+$0x2050]  }
0x57: {  	v19 =	vmax.f32 v5, v12;
	v5 =	vmin.f32 v5, v12;
	v12 =	vmin.f32 v16, v17;
	s17 =	sor.u32 s21, s20  }
0x58: {  	v6 =	vmax.f32 v6, v5;
	v16 =	vmax.f32 v0, v12;
	v5 =	vmax.f32 v19, v13;
	v21 =	vld [tilespmem:s17+$0x2070]  }
0x59: {  	v24 =	vmax.f32 v10, v15;
	v10 =	vmin.f32 v10, v15;
	v13 =	vmin.f32 v19, v13;
	v23 =	vld [tilespmem:s17+$0x2060]  }
0x5a: {  	v2 =	vmax.f32 v2, v10;
	v10 =	vmin.f32 v24, v11;
	v6 =	vmax.f32 v6, v13;
	v15 =	vld [tilespmem:s17+$0x2030]  }
0x5b: {  	v0 =	vmin.f32 v0, v12;
	v2 =	vmax.f32 v2, v10;
	v19 =	vld [tilespmem:s17+$0x2020];
	v12 =	vmin.f32 v22, v18  }
0x5c: {  	v1 =	vmax.f32 v1, v0;
	v13 =	vld [tilespmem:s17+$0x2000];
	v0 =	vmax.f32 v16, v12;
	v10 =	vmin.f32 v16, v12  }
0x5d: {  	v12 =	vmax.f32 v9, v3;
	v17 =	vld [tilespmem:s17+$0x2010];
	v1 =	vmax.f32 v1, v10;
	v10 =	vmax.f32 v24, v11  }
.Ltmp3:
0x5e: {  	v16 =	vmax.f32 v22, v18;
	v9 =	vmax.f32 v7, v8;
	v8 =	vmovc v21;
	v3 =	vmov v23;
	(pc) =	sbr.rel @p1 .LBB2_5-.Ltmp3, $4  }
0x5f: {  	v7 =	vmax.f32 v9, v15;
	v11 =	vmin.f32 v9, v15;
	v18 =	vld [tilespmem:s17+$0x2040]  }
0x60: {  	v9 =	vmax.f32 v12, v19;
	v15 =	vmin.f32 v12, v19;
	v12 =	vmax.f32 v14, v11  }
0x61: {  	v11 =	vmin.f32 v14, v11;
	v14 =	vmin.f32 v7, v8;
	v19 =	vmax.f32 v4, v13  }
0x62: {  	s19 =	sadd.s32 $0x1000, s19;
	v20 =	vmax.f32 v20, v11;
	v11 =	vmin.f32 v9, v3;
	v21 =	vmin.f32 v12, v14  }
0x63: {  	v22 =	vmax.f32 v16, v17;
	v14 =	vmax.f32 v12, v14  }
0x64: {  	v12 =	vmax.f32 v20, v21;
	v13 =	vmin.f32 v4, v13;
	v16 =	vmin.f32 v16, v17  }
0x65: {  	v60 =	vld [tilespmem:s17+$0x2050];
	v63 =	vmin.f32 v10, v15;
	v10 =	vmax.f32 v10, v15;
	v8 =	vmax.f32 v7, v8  }
0x66: {  	v4 =	vmax.f32 v19, v18;
	v61 =	vmin.f32 v19, v18;
	v62 =	vmin.f32 v5, v13  }
0x67: {  	v13 =	vmax.f32 v5, v13;
	v17 =	vmax.f32 v0, v16;
	v2 =	vmax.f32 v2, v63  }
.Ltmp4:
0x68: {  	v15 =	vmin.f32 v0, v16;
	v6 =	vmax.f32 v6, v62;
	v5 =	vmax.f32 v13, v61;
	(pc) =	sbr.rel @p0 .LBB2_8-.Ltmp4, $4  }
0x69: {  	v13 =	vmin.f32 v13, v61;
	v1 =	vmax.f32 v1, v15;
	v15 =	vmax.f32 v9, v3  }
0x6a: {  	v6 =	vmax.f32 v6, v13;
	v13 =	vmin.f32 v10, v11;
	v16 =	vmin.f32 v22, v60  }
0x6b: {  	v3 =	vmax.f32 v10, v11;
	v0 =	vmax.f32 v2, v13;
	v13 =	vmin.f32 v17, v16  }
0x6c: {  	v2 =	vmax.f32 v17, v16;
	v1 =	vmax.f32 v1, v13;
	v13 =	vmax.f32 v22, v60  }
.Ltmp5:
0x6d: {  	(pc) =	sbr.rel .LBB2_2-.Ltmp5, $3  }
0x6e: {  	_ =	sdelay $0x1  }
0x6f: {  	s16 =	sadd.s32 s16, s6;
	s15 =	sadd.s32 $0x1, s15  }
0x70: {  	[tilespmem:s9], [sflag:$0x2] =	stream.linear.gather [hbm4b:s16+s2], $0x2000, $0x38;
	[tilespmem:$0x4080] =	vst v63  }
.LBB2_9:
0x71: {  	_ =	sfence.sel $0x180000  }
0x72: {  	[bflag:$0x0] =	sbarrier.arrive $0xFFFF  }
0x73: {  	p0 =	sne.s32 s0, $0x0;
	_ =	strace $0x90000047  }
0x74: {  	s0 =	sadd.s32 @!p0 $0x100000, s1;
	[bflag:$0x2] =	sbarrier.arrive $0xFFFF  }
0x75: {  	[sflag:s0] =	ssyncadd.tile.s32 @!p0 $0x1;
	_ =	shalt  }
.Lfunc_end2:
_tile_overlayer_lowered:
.L_overlay_start_2:
0x76: {  	(tag) =	ssettag $0x2  }
0x77: {  	s0 =	rddreg [dreg:$0x0];
	s2 =	stileid.u32  }
0x78: {  	s1 =	rddreg [dreg:$0x1];
	p0 =	sne.s32 s2, $0x0  }
0x79: {  	s3 =	rddreg [dreg:$0x2];
	[bflag:$0x3] =	sbarrier.arrive $0xFFFF;
	s2 =	simm.s32 @!p0 $0x1C03  }
0x7a: {  	[timem:s3], [sflag:s2] =	dma.local @!p0 [hbm:s0], s1  }
0x7b: {  	s0 =	simm.s32 @!p0 $0x3  }
0x7c: {  	_ =	swait.ge @!p0 [sflag:s0], s1  }
0x7d: {  	s1 =	ssub.s32 @!p0 $0x0, s1;
	[sflag:s0] =	ssyncset.done @!p0 $0x0  }
0x7e: {  	[sflag:s0] =	ssyncadd.s32 @!p0 s1  }
0x7f: {  	[bflag:$0x3] =	sbarrier.arrive $0xFFFF  }
0x80: {  	_ =	shalt  }

</sc_bundles>
